<compile_context>
chip_gen: v7x
topology: tpu7x:2x2x1
jax: 0.10.2.dev20260603
libtpu: 0.0.44.dev20260713+nightly
codegen_flags: <defaults>
</compile_context>

<pallas_src>
import functools

import jax
import jax.numpy as jnp
from jax import lax
from jax.experimental import pallas as pl
from jax.experimental.pallas import tpu as pltpu
from jax.experimental.pallas import tpu_sc as plsc

F = 26
V = 100000
D = 32
B = 4096
LF = 200
OR = F + LF

NC, NS, LANES = 2, 16, 16
NW = NC * NS
BPW = B // NW
PPW = BPW * F
CHUNK = 128
NCHUNK = PPW // CHUNK
VECS = PPW // LANES
VPC = CHUNK // LANES
NBUF = 4
CH = 2
NG = BPW // CH
FNB = 4

_mesh = plsc.VectorSubcoreMesh(core_axis_name="c", subcore_axis_name="s")


@functools.partial(
    pl.kernel,
    out_type=jax.ShapeDtypeStruct((B * OR, D), jnp.float32),
    mesh=_mesh,
    compiler_params=pltpu.CompilerParams(use_tc_tiling_on_sc=False),
    scratch_types=[
        pltpu.VMEM((PPW,), jnp.int32),
        pltpu.VMEM((NCHUNK, CHUNK), jnp.int32),
        pltpu.VMEM((NCHUNK, CHUNK), jnp.int32),
        pltpu.VMEM((NBUF, CHUNK, D), jnp.float32),
        pltpu.VMEM_SHARED((NS, FNB, CH * LF * D), jnp.float32),
        pltpu.SemaphoreType.DMA,
        pltpu.SemaphoreType.DMA,
        pltpu.SemaphoreType.DMA,
        pltpu.SemaphoreType.DMA,
    ],
)
def _sc_conditioning(tab_ref, idx_ref, feat_ref, out_ref,
                     idxin_v, src_v, dst_v, rows_v, fbuf_v,
                     sem_r, sem_w, sem_g, sem_s):
    wid = lax.axis_index("s") * NC + lax.axis_index("c")
    p0 = pl.multiple_of(wid * PPW, 8)
    b0 = wid * BPW

    pltpu.sync_copy(idx_ref.at[pl.ds(p0, PPW)], idxin_v)

    def compute(i, carry):
        q = i * LANES + lax.iota(jnp.int32, LANES)
        b = lax.div(q, jnp.full((LANES,), F, jnp.int32))
        f = q - b * F
        raw = idxin_v[pl.ds(i * LANES, LANES)]
        j = i // VPC
        col = (i - j * VPC) * LANES
        src_v[j, pl.ds(col, LANES)] = raw + f * V
        dst_v[j, pl.ds(col, LANES)] = (b0 + b) * OR + f
        return carry

    lax.fori_loop(0, VECS, compute, 0)

    def fread(g):
        return pltpu.make_async_copy(
            feat_ref.at[pl.ds((b0 + g * CH) * LF * D, CH * LF * D)],
            fbuf_v.at[lax.axis_index("s"), lax.rem(g, FNB)], sem_r)

    def fwrite(g, j):
        row = b0 + g * CH + j
        return pltpu.make_async_copy(
            fbuf_v.at[lax.rem(g, FNB), pl.ds(j * LF, LF)],
            out_ref.at[pl.ds(row * OR + F, LF)], sem_w)

    def ffire(g, carry):
        fread(g).start()
        return carry

    lax.fori_loop(0, NG, ffire, 0)

    def fdrain(g, carry):
        fread(g).wait()
        return carry

    lax.fori_loop(0, NG, fdrain, 0)

    def gather_c(c):
        return pltpu.make_async_copy(tab_ref.at[src_v.at[c]],
                                     rows_v.at[lax.rem(c, NBUF)], sem_g)

    def scatter_c(c):
        return pltpu.make_async_copy(rows_v.at[lax.rem(c, NBUF)],
                                     out_ref.at[dst_v.at[c]], sem_s)




def kernel(feature, indices, tables):
    tab2 = tables.reshape(F * V, D)
    idx = indices.astype(jnp.int32).reshape(B * F)
    feat2 = feature.reshape(B * LF * D)
    out = _sc_conditioning(tab2, idx, feat2)
    return out.reshape(B, OR, D)

# --- scband reference (transcript-rebuilt; emitter-appended) ---
"""Pipeline reference for scband-conditioning-24318104830243 (READ-ONLY COPY).

The authoritative reference and input builder live on the scoring server;
editing this copy changes nothing except your own understanding.
"""

import jax, jax.numpy as jnp
import numpy as np

N_FIELDS = 26
VOCAB = 100000
N_DIM = 32
BATCH = 4096
L = 200

def setup_inputs(seed: int = 0) -> dict:
    key = jax.random.key(seed)
    k_feat, k_idx, k_tab = jax.random.split(key, 3)
    feature = jax.random.normal(k_feat, (BATCH, L, N_DIM), dtype=jnp.float32)
    indices = jax.random.randint(k_idx, (BATCH, N_FIELDS), 0, VOCAB, dtype=jnp.int64)
    # learned params: one embedding table per field (all same vocab -> stacked)
    tables = jax.random.normal(k_tab, (N_FIELDS, VOCAB, N_DIM), dtype=jnp.float32)
    return {"feature": feature, "indices": indices, "tables": tables}

def reference(feature, indices, tables):
    # one embedding lookup per field: tables[i][indices[:, i]] -> (batch, n_dim)
    concat_embeds = [jnp.take(tables[i], indices[:, i], axis=0) for i in range(N_FIELDS)]
    concat_embeds = jnp.stack(concat_embeds, axis=1)  # (batch, n_fields, n_dim)
    return jnp.concatenate([concat_embeds, feature], axis=1)  # (batch, n_fields + L, n_dim)

if __name__ == "__main__":
    import jax
    _d = setup_inputs()
    print(jax.jit(kernel)(*tuple(_d.values())))

</pallas_src>

<mosaic_0001>
#map = affine_map<(d0, d1) -> (0, 0)>
#map1 = affine_map<(d0, d1) -> (0)>
module attributes {stable_mosaic.version = 14 : i64} {
  func.func @_sc_conditioning(%arg0: i32, %arg1: i32, %arg2: memref<2600000x32xf32, #tpu.memory_space<hbm>>, %arg3: memref<106496xi32, #tpu.memory_space<hbm>>, %arg4: memref<26214400xf32, #tpu.memory_space<hbm>>, %arg5: memref<925696x32xf32, #tpu.memory_space<hbm>>, %arg6: memref<3328xi32, #tpu.memory_space<vmem>>, %arg7: memref<26x128xi32, #tpu.memory_space<vmem>>, %arg8: memref<26x128xi32, #tpu.memory_space<vmem>>, %arg9: memref<4x128x32xf32, #tpu.memory_space<vmem>>, %arg10: memref<16x4x12800xf32, #tpu.memory_space<vmem_shared>>, %arg11: memref<!tpu.dma_semaphore, #tpu.memory_space<semaphore_mem>>, %arg12: memref<!tpu.dma_semaphore, #tpu.memory_space<semaphore_mem>>, %arg13: memref<!tpu.dma_semaphore, #tpu.memory_space<semaphore_mem>>, %arg14: memref<!tpu.dma_semaphore, #tpu.memory_space<semaphore_mem>>) attributes {dimension_semantics = [#tpu.dimension_semantics<core_parallel>, #tpu.dimension_semantics<subcore_parallel>], iteration_bounds = array<i64: 2, 16>, scalar_prefetch = 0 : i64, scratch_operands = 9 : i64, tpu.core_type = #tpu.core_type<sc_vector_subcore>, window_params = [{transform_indices = #map}, {transform_indices = #map1}, {transform_indices = #map1}, {transform_indices = #map}]} {
    %mul3A = arith.constant 2 : i32
    %mul3A_0 = arith.muli %arg1, %mul3A : i32
    %add3A = arith.addi %mul3A_0, %arg0 : i32
    %mul3A_1 = arith.constant 3328 : i32
    %mul3A_2 = arith.muli %add3A, %mul3A_1 : i32
    %multiple_of3A = tpu.assume_multiple %mul3A_2, 8 : i32
    %mul3A_3 = arith.constant 128 : i32
    %mul3A_4 = arith.muli %add3A, %mul3A_3 : i32
    "tpu.region"() ({
      %run_scoped3A = tpu.sem_alloc : memref<!tpu.dma_semaphore, #tpu.memory_space<semaphore_mem>>
      %dma_start3A = tpu.memref_slice %arg3[%multiple_of3A] : memref<106496xi32, #tpu.memory_space<hbm>> -> memref<3328xi32, #tpu.memory_space<hbm>>
      %dma_start3A_22 = tpu.memref_slice %arg3[%multiple_of3A] : memref<106496xi32, #tpu.memory_space<hbm>> -> memref<3328xi32, #tpu.memory_space<hbm>>
      tpu.enqueue_dma source(%dma_start3A_22 : memref<3328xi32, #tpu.memory_space<hbm>>) target(%arg6 : memref<3328xi32, #tpu.memory_space<vmem>>) target_semaphore(%run_scoped3A : memref<!tpu.dma_semaphore, #tpu.memory_space<semaphore_mem>>)
      %dma_wait3A = tpu.memref_slice %arg3[%multiple_of3A] : memref<106496xi32, #tpu.memory_space<hbm>> -> memref<3328xi32, #tpu.memory_space<hbm>>
      %dma_wait3A_23 = tpu.memref_slice %arg3[%multiple_of3A] : memref<106496xi32, #tpu.memory_space<hbm>> -> memref<3328xi32, #tpu.memory_space<hbm>>
      tpu.wait_dma2 semaphore(%run_scoped3A : memref<!tpu.dma_semaphore, #tpu.memory_space<semaphore_mem>>) src(%dma_wait3A_23 : memref<3328xi32, #tpu.memory_space<hbm>>) dst(%arg6 : memref<3328xi32, #tpu.memory_space<vmem>>)
      tpu.yield
    }) : () -> ()
    %scan3A = arith.constant 0 : i32
    %scan3A_5 = arith.constant 0 : i32
    %scan3A_6 = arith.constant 208 : i32
    %scan3A_7 = arith.addi %scan3A_5, %scan3A_6 : i32
    %scan3A_8 = arith.constant 1 : i32
    scf.for %scan3A_22 = %scan3A_5 to %scan3A_7 step %scan3A_8  : i32 {
      %mul3A_23 = arith.constant 16 : i32
      %mul3A_24 = arith.muli %scan3A_22, %mul3A_23 : i32
      %iota3A = tpu.iota {dimensions = array<i32: 0>} : vector<16xi32>
      %add3A_25 = vector.broadcast %mul3A_24 : i32 to vector<16xi32>
      %add3A_26 = arith.addi %add3A_25, %iota3A : vector<16xi32>
      %broadcast_in_dim3A = arith.constant 26 : i32
      %broadcast_in_dim3A_27 = vector.broadcast %broadcast_in_dim3A : i32 to vector<16xi32>
      %div3A = arith.divsi %add3A_26, %broadcast_in_dim3A_27 : vector<16xi32>
      %mul3A_28 = arith.constant 26 : i32
      %mul3A_29 = vector.broadcast %mul3A_28 : i32 to vector<16xi32>
      %mul3A_30 = arith.muli %div3A, %mul3A_29 : vector<16xi32>
      %sub3A = arith.subi %add3A_26, %mul3A_30 : vector<16xi32>
      %mul3A_31 = arith.constant 16 : i32
      %mul3A_32 = arith.muli %scan3A_22, %mul3A_31 : i32
      %get3A = arith.index_cast %mul3A_32 : i32 to index
      %get3A_33 = tpu.vector_load %arg6[%get3A] {strides = array<i32>} : memref<3328xi32, #tpu.memory_space<vmem>>, vector<16xi32>,
      %get3A_34 = vector.shape_cast %get3A_33 : vector<16xi32> to vector<16xi32>
      %jit3A = arith.constant 8 : i32
      %div3A_35 = arith.divsi %scan3A_22, %jit3A : i32
      %sign3A = arith.constant 0 : i32
      %sign3A_36 = arith.cmpi sgt, %scan3A_22, %sign3A : i32
      %sign3A_37 = arith.extui %sign3A_36 : i1 to i32
      %sign3A_38 = arith.constant 0 : i32
      %sign3A_39 = arith.cmpi slt, %scan3A_22, %sign3A_38 : i32
      %sign3A_40 = arith.extui %sign3A_39 : i1 to i32
      %sign3A_41 = arith.subi %sign3A_37, %sign3A_40 : i32
      %sign3A_42 = arith.constant 0 : i32
      %sign3A_43 = arith.cmpi sgt, %jit3A, %sign3A_42 : i32
      %sign3A_44 = arith.extui %sign3A_43 : i1 to i32
      %sign3A_45 = arith.constant 0 : i32
      %sign3A_46 = arith.cmpi slt, %jit3A, %sign3A_45 : i32
      %sign3A_47 = arith.extui %sign3A_46 : i1 to i32
      %sign3A_48 = arith.subi %sign3A_44, %sign3A_47 : i32
      %ne3A = arith.cmpi ne, %sign3A_41, %sign3A_48 : i32
      %rem3A = arith.remsi %scan3A_22, %jit3A : i32
      %ne3A_49 = arith.constant 0 : i32
      %ne3A_50 = arith.cmpi ne, %rem3A, %ne3A_49 : i32
      %and3A = arith.andi %ne3A, %ne3A_50 : i1
      %sub3A_51 = arith.constant 1 : i32
      %sub3A_52 = arith.subi %div3A_35, %sub3A_51 : i32
      %select_n3A = arith.select %and3A, %sub3A_52, %div3A_35 : i32
      %mul3A_53 = arith.constant 8 : i32
      %mul3A_54 = arith.muli %select_n3A, %mul3A_53 : i32
      %sub3A_55 = arith.subi %scan3A_22, %mul3A_54 : i32
      %mul3A_56 = arith.constant 16 : i32
      %mul3A_57 = arith.muli %sub3A_55, %mul3A_56 : i32
      %mul3A_58 = arith.constant 100000 : i32
      %mul3A_59 = vector.broadcast %mul3A_58 : i32 to vector<16xi32>
      %mul3A_60 = arith.muli %sub3A, %mul3A_59 : vector<16xi32>
      %add3A_61 = arith.addi %get3A_34, %mul3A_60 : vector<16xi32>
      %swap3A = arith.index_cast %select_n3A : i32 to index
      %swap3A_62 = arith.index_cast %mul3A_57 : i32 to index
      %swap3A_63 = tpu.vector_load %arg7[%swap3A, %swap3A_62] {strides = array<i32>} : memref<26x128xi32, #tpu.memory_space<vmem>>, vector<1x16xi32>,
      %swap3A_64 = vector.shape_cast %swap3A_63 : vector<1x16xi32> to vector<16xi32>
      %swap3A_65 = vector.shape_cast %add3A_61 : vector<16xi32> to vector<1x16xi32>
      tpu.vector_store %arg7[%swap3A, %swap3A_62], %swap3A_65 {strides = array<i32>} : memref<26x128xi32, #tpu.memory_space<vmem>>, vector<1x16xi32>,
      %add3A_66 = vector.broadcast %mul3A_4 : i32 to vector<16xi32>
      %add3A_67 = arith.addi %add3A_66, %div3A : vector<16xi32>
      %mul3A_68 = arith.constant 226 : i32
      %mul3A_69 = vector.broadcast %mul3A_68 : i32 to vector<16xi32>
      %mul3A_70 = arith.muli %add3A_67, %mul3A_69 : vector<16xi32>
      %add3A_71 = arith.addi %mul3A_70, %sub3A : vector<16xi32>
      %swap3A_72 = arith.index_cast %select_n3A : i32 to index
      %swap3A_73 = arith.index_cast %mul3A_57 : i32 to index
      %swap3A_74 = tpu.vector_load %arg8[%swap3A_72, %swap3A_73] {strides = array<i32>} : memref<26x128xi32, #tpu.memory_space<vmem>>, vector<1x16xi32>,
      %swap3A_75 = vector.shape_cast %swap3A_74 : vector<1x16xi32> to vector<16xi32>
      %swap3A_76 = vector.shape_cast %add3A_71 : vector<16xi32> to vector<1x16xi32>
      tpu.vector_store %arg8[%swap3A_72, %swap3A_73], %swap3A_76 {strides = array<i32>} : memref<26x128xi32, #tpu.memory_space<vmem>>, vector<1x16xi32>,
    }
    %scan3A_9 = arith.constant 208 : i32
    %scan3A_10 = arith.constant 0 : i32
    %scan3A_11 = arith.constant 0 : i32
    %scan3A_12 = arith.constant 64 : i32
    %scan3A_13 = arith.addi %scan3A_11, %scan3A_12 : i32
    %scan3A_14 = arith.constant 1 : i32
    scf.for %scan3A_22 = %scan3A_11 to %scan3A_13 step %scan3A_14  : i32 {
      %mul3A_23 = arith.constant 2 : i32
      %mul3A_24 = arith.muli %scan3A_22, %mul3A_23 : i32
      %add3A_25 = arith.addi %mul3A_4, %mul3A_24 : i32
      %mul3A_26 = arith.constant 200 : i32
      %mul3A_27 = arith.muli %add3A_25, %mul3A_26 : i32
      %mul3A_28 = arith.constant 32 : i32
      %mul3A_29 = arith.muli %mul3A_27, %mul3A_28 : i32
      %rem3A = arith.constant 4 : i32
      %rem3A_30 = arith.remsi %scan3A_22, %rem3A : i32
      %dma_start3A = arith.constant 0 : i32
      %dma_start3A_31 = tpu.memref_slice %arg10[%arg1, %rem3A_30, %dma_start3A] : memref<16x4x12800xf32, #tpu.memory_space<vmem_shared>> -> memref<1x1x12800xf32, #tpu.memory_space<vmem_shared>>
      %dma_start3A_32 = tpu.memref_squeeze %dma_start3A_31 : memref<1x1x12800xf32, #tpu.memory_space<vmem_shared>> -> memref<12800xf32, #tpu.memory_space<vmem_shared>>
      %dma_start3A_33 = tpu.memref_slice %arg4[%mul3A_29] : memref<26214400xf32, #tpu.memory_space<hbm>> -> memref<12800xf32, #tpu.memory_space<hbm>>
      tpu.enqueue_dma source(%dma_start3A_33 : memref<12800xf32, #tpu.memory_space<hbm>>) target(%dma_start3A_32 : memref<12800xf32, #tpu.memory_space<vmem_shared>>) target_semaphore(%arg11 : memref<!tpu.dma_semaphore, #tpu.memory_space<semaphore_mem>>)
    }
    %scan3A_15 = arith.constant 64 : i32
    %scan3A_16 = arith.constant 0 : i32
    %scan3A_17 = arith.constant 0 : i32
    %scan3A_18 = arith.constant 64 : i32
    %scan3A_19 = arith.addi %scan3A_17, %scan3A_18 : i32
    %scan3A_20 = arith.constant 1 : i32
    scf.for %scan3A_22 = %scan3A_17 to %scan3A_19 step %scan3A_20  : i32 {
      %mul3A_23 = arith.constant 2 : i32
      %mul3A_24 = arith.muli %scan3A_22, %mul3A_23 : i32
      %add3A_25 = arith.addi %mul3A_4, %mul3A_24 : i32
      %mul3A_26 = arith.constant 200 : i32
      %mul3A_27 = arith.muli %add3A_25, %mul3A_26 : i32
      %mul3A_28 = arith.constant 32 : i32
      %mul3A_29 = arith.muli %mul3A_27, %mul3A_28 : i32
      %rem3A = arith.constant 4 : i32
      %rem3A_30 = arith.remsi %scan3A_22, %rem3A : i32
      %dma_wait3A = arith.constant 0 : i32
      %dma_wait3A_31 = tpu.memref_slice %arg10[%arg1, %rem3A_30, %dma_wait3A] : memref<16x4x12800xf32, #tpu.memory_space<vmem_shared>> -> memref<1x1x12800xf32, #tpu.memory_space<vmem_shared>>
      %dma_wait3A_32 = tpu.memref_squeeze %dma_wait3A_31 : memref<1x1x12800xf32, #tpu.memory_space<vmem_shared>> -> memref<12800xf32, #tpu.memory_space<vmem_shared>>
      %dma_wait3A_33 = tpu.memref_slice %arg4[%mul3A_29] : memref<26214400xf32, #tpu.memory_space<hbm>> -> memref<12800xf32, #tpu.memory_space<hbm>>
      tpu.wait_dma2 semaphore(%arg11 : memref<!tpu.dma_semaphore, #tpu.memory_space<semaphore_mem>>) src(%dma_wait3A_33 : memref<12800xf32, #tpu.memory_space<hbm>>) dst(%dma_wait3A_32 : memref<12800xf32, #tpu.memory_space<vmem_shared>>)
    }
    %scan3A_21 = arith.constant 64 : i32
    return
  }
}

</mosaic_0001>

<sc_bundles>
// kernel: kernel.3.cloned.1.call-start
scs
__scs_entry_jumppad:
0x0: {  	(pc) =	sbr.rel $0x88, $3  }
0x1: {  	(tag) =	ssettag $0x0;
	lr =	simm.s32 $0x1  }
0x2: {  	[smem:$0x3F9E] =	sst lr;
	_ =	strace $0xD0000000  }
0x3: {  	_ = 	snop  }
0x4: {  	_ = 	snop  }
0x5: {  	_ = 	snop  }
0x6: {  	_ = 	snop  }
0x7: {  	_ = 	snop  }
__scs_overlays_trampoline_lowered:
0x8: {  	[smem:$0x3FAD] =	sst s0  }
0x9: {  	[smem:$0x3FAE] =	sst s1  }
0xa: {  	[smem:$0x3FAF] =	sst s2  }
0xb: {  	[smem:$0x3FB0] =	sst s3  }
0xc: {  	[smem:$0x3FB1] =	sst s4  }
0xd: {  	[smem:$0x3FB2] =	sst s5  }
0xe: {  	[smem:$0x3FB3] =	sst s6  }
0xf: {  	[smem:$0x3FB4] =	sst s7  }
0x10: {  	[smem:$0x3FB5] =	sst s8  }
0x11: {  	[smem:$0x3FB6] =	sst s9;
	s0 =	simm.s32 @!p0 $0x0  }
0x12: {  	s1 =	sld [smem:$0x3F9C];
	s0 =	simm.s32 @p0 $0x1  }
0x13: {  	[smem:$0x3FB7] =	sst s0;
	s0 =	simm.s32 @!p1 $0x0  }
0x14: {  	s2 =	sld [smem:$0x3F9B];
	s0 =	simm.s32 @p1 $0x1  }
0x15: {  	[smem:$0x3FB8] =	sst s0;
	s0 =	simm.s32 @!p2 $0x0  }
0x16: {  	s3 =	sld [smem:$0x3FDB];
	s0 =	simm.s32 @p2 $0x1  }
0x17: {  	s4 =	simm.s32 $0x1BF5;
	[smem:$0x3FBA] =	sst s0  }
0x18: {  	s0 =	sld [smem:$0x3F9D];
	_ =	swait.ge [sflag:s4], $0x0  }
0x19: {  	s7 =	sld [smem:$0x3F9E]  }
0x1a: {  	s8 =	sadd.s32 $0xFFFFE003, lr  }
0x1b: {  	s9 =	sadd.s32 $0xFFFFFEF7, lr;
	s5 =	simm.s32 $0xFFFFFFFF;
	p2 =	slt.u32 s8, $0xFFFFF086  }
0x1c: {  	p1 =	slt.u32 s9, $0xF7A;
	s5 =	simm.s32 @!p2 $0x0  }
0x1d: {  	s5 =	simm.s32 @p1 $0x1;
	p0 =	seq.s32 s7, s2  }
0x1e: {  	s7 =	smul.u32 @!p0 $0xF7A, s2;
	p2 =	seq.s32 @!p0 s5, $0x0  }
0x1f: {  	s9 =	smul.u32 $0xF7A, s1;
	s8 =	simm.s32 @!p0 $0x1BF5;
	p2 =	por !p2, p0  }
0x20: {  	[sflag:s8] =	ssyncset.s32 @!p0 $0xFFFFF086;
	s6 =	sadd.s32 @!p0 s3, s7;
	s7 =	simm.s32 @!p0 $0x108  }
0x21: {  	s3 =	sadd.s32 s3, s9;
	s6 =	sadd.s32 @!p0 $0x88, s6;
	s7 =	simm.s32 @p2 $0x1082  }
0x22: {  	[simem:s7], [sflag:s8] =	dma.local @!p0 [hbm:s6], $0xF7A  }
0x23: {  	s9 =	sor.u32 $0xD0000000, s2;
	s6 =	simm.s32 $0x108;
	_ =	swait.ge @!p0 [sflag:s8], $0x0  }
0x24: {  	s3 =	sadd.s32 $0x88, s3;
	s6 =	simm.s32 @!p1 $0x1082;
	[sflag:s4] =	ssyncset.s32 $0xFFFFF086  }
0x25: {  	[simem:s6], [sflag:s4] =	dma.local [hbm:s3], $0xF7A  }
0x26: {  	[smem:$0x3F9E] =	sst s1;
	(tag) =	ssettag s2;
	_ =	strace s9  }
0x27: {  	s1 =	sld [smem:$0x3FAE]  }
0x28: {  	s2 =	sld [smem:$0x3FAF]  }
0x29: {  	s4 =	sld [smem:$0x3FB1]  }
0x2a: {  	p0 =	seq.s32 s5, $0x0;
	s5 =	sld [smem:$0x3FB2]  }
0x2b: {  	s6 =	sld [smem:$0x3FB3]  }
0x2c: {  	s7 =	sld [smem:$0x3FB4]  }
0x2d: {  	s3 =	simm.s32 $0x108;
	s8 =	sld [smem:$0x3FB5]  }
0x2e: {  	s3 =	simm.s32 @!p0 $0x1082;
	s9 =	sld [smem:$0x3FB6]  }
0x2f: {  	lr =	sadd.s32 s0, s3;
	s0 =	sld [smem:$0x3FAD]  }
0x30: {  	s3 =	sld [smem:$0x3FB0]  }
0x31: {  	[smem:$0x3FB9] =	sst s10  }
0x32: {  	s10 =	sld [smem:$0x3FB7];
	_ =	sdelay $0x3  }
0x33: {  	p0 =	seq.s32 s10, $0x1;
	s10 =	sld [smem:$0x3FB9];
	_ =	sdelay $0x3  }
0x34: {  	[smem:$0x3FB9] =	sst s10  }
0x35: {  	s10 =	sld [smem:$0x3FB8];
	_ =	sdelay $0x3  }
0x36: {  	p1 =	seq.s32 s10, $0x1;
	s10 =	sld [smem:$0x3FB9];
	_ =	sdelay $0x3  }
0x37: {  	[smem:$0x3FB9] =	sst s10  }
0x38: {  	s10 =	sld [smem:$0x3FBA]  }
0x39: {  	_ = 	snop;
	(pc) =	sbr.ind lr, $3  }
0x3a: {  	_ = 	snop  }
0x3b: {  	_ = 	snop  }
0x3c: {  	p2 =	seq.s32 s10, $0x1;
	s10 =	sld [smem:$0x3FB9]  }
0x3d: {  	_ =	shalt  }
0x3e: {  	_ =	shalt  }
0x3f: {  	_ =	shalt  }
0x40: {  	_ =	shalt  }
0x41: {  	_ =	shalt  }
0x42: {  	_ =	shalt  }
0x43: {  	_ =	shalt  }
0x44: {  	_ =	shalt  }
0x45: {  	_ =	shalt  }
0x46: {  	_ =	shalt  }
0x47: {  	_ =	shalt  }
0x48: {  	_ =	shalt  }
0x49: {  	_ =	shalt  }
0x4a: {  	_ =	shalt  }
0x4b: {  	_ =	shalt  }
0x4c: {  	_ =	shalt  }
0x4d: {  	_ =	shalt  }
0x4e: {  	_ =	shalt  }
0x4f: {  	_ =	shalt  }
0x50: {  	_ =	shalt  }
0x51: {  	_ =	shalt  }
0x52: {  	_ =	shalt  }
0x53: {  	_ =	shalt  }
0x54: {  	_ =	shalt  }
0x55: {  	_ =	shalt  }
0x56: {  	_ =	shalt  }
0x57: {  	_ =	shalt  }
0x58: {  	_ =	shalt  }
0x59: {  	_ =	shalt  }
0x5a: {  	_ =	shalt  }
0x5b: {  	_ =	shalt  }
0x5c: {  	_ =	shalt  }
0x5d: {  	_ =	shalt  }
0x5e: {  	_ =	shalt  }
0x5f: {  	_ =	shalt  }
0x60: {  	_ =	shalt  }
0x61: {  	_ =	shalt  }
0x62: {  	_ =	shalt  }
0x63: {  	_ =	shalt  }
0x64: {  	_ =	shalt  }
0x65: {  	_ =	shalt  }
0x66: {  	_ =	shalt  }
0x67: {  	_ =	shalt  }
0x68: {  	_ =	shalt  }
0x69: {  	_ =	shalt  }
0x6a: {  	_ =	shalt  }
0x6b: {  	_ =	shalt  }
0x6c: {  	_ =	shalt  }
0x6d: {  	_ =	shalt  }
0x6e: {  	_ =	shalt  }
0x6f: {  	_ =	shalt  }
0x70: {  	_ =	shalt  }
0x71: {  	_ =	shalt  }
0x72: {  	_ =	shalt  }
0x73: {  	_ =	shalt  }
0x74: {  	_ =	shalt  }
0x75: {  	_ =	shalt  }
0x76: {  	_ =	shalt  }
0x77: {  	_ =	shalt  }
0x78: {  	_ =	shalt  }
0x79: {  	_ =	shalt  }
0x7a: {  	_ =	shalt  }
0x7b: {  	_ =	shalt  }
0x7c: {  	_ =	shalt  }
0x7d: {  	_ =	shalt  }
0x7e: {  	_ =	shalt  }
0x7f: {  	_ =	shalt  }
0x80: {  	_ =	shalt  }
0x81: {  	_ =	shalt  }
0x82: {  	_ =	shalt  }
0x83: {  	_ =	shalt  }
0x84: {  	_ =	shalt  }
0x85: {  	_ =	shalt  }
0x86: {  	_ =	shalt  }
0x87: {  	_ =	shalt  }
.Lfunc_end0:
.L_simem_size_0:
called_computation.2_lowered:
.L_overlay_start_0:
0x88: {  	s2 =	sld [smem:$0x3FD9]  }
0x89: {  	s3 =	sld [smem:$0x3FFE];
	_ =	sdelay $0x1  }
0x8a: {  	s1 =	srdreg.scid  }
0x8b: {  	s0 =	sand.u32 $0x1, s1  }
0x8c: {  	s16 =	sshll.u32 s0, $0xA;
	s2 =	sadd.s32 s3, s2  }
0x8d: {  	s2 =	sadd.s32 s2, s16  }
0x8e: {  	[smem:$0x3FC5] =	sst s2  }
0x8f: {  	_ = 	snop  }
0x90: {  	(tm) =	ssettm $0x1  }
0x91: {  	s17 =	sld [smem:$0x3FFB];
	_ =	sdelay $0x3  }
0x92: {  	_ =	strace s17  }
0x93: {  	s2 =	sld [smem:$0x3FFC];
	_ =	sdelay $0x3  }
0x94: {  	_ =	strace s2  }
0x95: {  	s2 =	sld [smem:$0x3FFD];
	_ =	sdelay $0x3  }
0x96: {  	_ =	strace s2  }
0x97: {  	_ =	strace $0x8FFFFFFF  }
0x98: {  	s18 =	sld [smem:$0x3FDB];
	_ =	sdelay $0x1  }
0x99: {  	s19 =	simm.s32 $_scs_section_size  }
0x9a: {  	s4 =	simm.s32 $_size__tile_overlayer_lowered;
	s5 =	simm.s32 $_tile_overlayer_lowered  }
0x9b: {  	s22 =	simm.s32 $0x1BFF;
	s21 =	sshll.u32 s5, $0x1;
	s2 =	sadd.s32 s19, s18  }
0x9c: {  	s6 =	simm.s32 $0x0;
	s20 =	sshll.u32 s4, $0x1;
	s4 =	sadd.s32 s21, s2  }
0x9d: {  	[timem:s6], [sflag:s22] =	dma.local [hbm:s4], s20  }
0x9e: {  	_ =	swait.ge [sflag:s22], s20  }
0x9f: {  	s3 =	ssub.s32 $0x0, s20;
	[sflag:s22] =	ssyncset.done $0x0  }
0xa0: {  	[sflag:s22] =	ssyncadd.s32 s3;
	_ =	sdelay $0x1  }
0xa1: {  	s23 =	simm.s32 $0x1B8B  }
0xa2: {  	_ =	swait.ge [sflag:s23], $0x1  }
0xa3: {  	[sflag:s23] =	ssyncset.done $0x0  }
0xa4: {  	s25 =	simm.s32 $0x1B8E;
	s24 =	sld [smem:$0x3FFE];
	[sflag:s23] =	ssyncadd.s32 $0xFFFFFFFF  }
0xa5: {  	s26 =	simm.s32 $execute0_lowered;
	[smem:$0x3FD2] =	sst s25  }
0xa6: {  	s4 =	sshll.u32 s26, $0x1;
	_ =	strace $0x80000046;
	[dreg:$0x1] =	wrdreg $0xFFFFFFFF  }
0xa7: {  	s28 =	simm.s32 $_size_execute0_lowered;
	s2 =	sadd.s32 s2, s4;
	[dreg:$0x0] =	wrdreg $0x0  }
0xa8: {  	s4 =	sshll.u32 s28, $0x1;
	[dreg:$0x2] =	wrdreg s2  }
0xa9: {  	[dreg:$0x3] =	wrdreg s4  }
0xaa: {  	[dreg:$0x4] =	wrdreg $0xC0  }
0xab: {  	_ =	task [dreg:s6], $0x5FFFF  }
0xac: {  	[dreg:$0x1] =	wrdreg $0xFFFFFFFF  }
0xad: {  	[dreg:$0x0] =	wrdreg $0x60  }
0xae: {  	[dreg:$0x2] =	wrdreg s24  }
0xaf: {  	[dreg:$0x3] =	wrdreg $0x27000  }
0xb0: {  	[dreg:$0x4] =	wrdreg $0x9  }
0xb1: {  	_ =	task.clear_ibuf [dreg:s6], $0x5FFFF;
	_ =	strace $0x90000046  }
0xb2: {  	s29 =	simm.s32 $0x9;
	_ =	strace $0x80000048  }
0xb3: {  	_ =	swait.ge [sflag:s29], $0x1  }
0xb4: {  	[sflag:s29] =	ssyncadd.s32 $0xFFFFFFFF  }
0xb5: {  	_ =	strace $0x90000048  }
0xb6: {  	_ =	sfence  }
0xb7: {  	s30 =	sld [smem:$0x0];
	_ =	sdelay $0x2  }
0xb8: {  	s31 =	sshll.u32 s1, $0xD;
	s1 =	sshrl.u32 s1, $0x2  }
0xb9: {  	s3 =	sand.u32 $0x4000, s31;
	s1 =	sadd.s32 s1, s30  }
0xba: {  	s0 =	sor.u32 s3, s0;
	s1 =	sshll.u32 s1, $0x11  }
0xbb: {  	s0 =	sor.u32 s1, s0  }
0xbc: {  	s0 =	sadd.s32 $0x8F2B, s0  }
0xbd: {  	[sflag:s0] =	ssyncadd.remote.s32 $0x1  }
0xbe: {  	_ =	sfence.sel $0xFFFF  }
0xbf: {  	[dreg:$0x0] =	wrdreg $0xFFFFFFFF;
	(pc) =	sbr.abs _section_cstart, $3  }
0xc0: {  	[dreg:$0x1] =	wrdreg $0xFFFFFFFF  }
0xc1: {  	_ =	task.clear_ibuf [dreg:s6], $0x2FFFF;
	_ =	strace $0x9FFFFFFF  }
0xc2: {  	(tm) =	ssettm $0x7FFFFFFF  }
0xc3: {  	_ =	shalt  }
tec
execute0_lowered:
.L_overlay_start_1:
0x0: {  	(tag) =	ssettag $0x1  }
0x1: {  	s1 =	srdreg.scid;
	s3 =	rddreg [dreg:$0x0]  }
0x2: {  	s0 =	stileid.u32;
	s5 =	rddreg [dreg:$0x1]  }
0x3: {  	s2 =	simm.s32 $0x0;
	s4 =	sand.u32 $0x1, s1;
	s1 =	rddreg [dreg:$0x2]  }
0x4: {  	s26 =	sshll.u32 s0, $0x1;
	[smem:$0x7FF] =	sst s2;
	s8 =	smul.u32 $0x32000, s0  }
0x5: {  	s31 =	sshll.u32 s0, $0x6;
	s6 =	sor.u32 s4, s26;
	s28 =	smul.u32 $0x19000, s4  }
0x6: {  	s9 =	ssub.s32 $0x2, s4;
	_ =	strace $0x80000047;
	s7 =	smul.u32 $0x1A0, s6  }
0x7: {  	s10 =	sshrl.u32 s9, $0x1;
	s11 =	sadd.s32 s8, s3;
	s12 =	sshll.u32 s6, $0x7  }
0x8: {  	s29 =	sshrl.u32 s8, $0x2;
	s8 =	sor.u32 $0x1C01, s31;
	s9 =	ssub.s32 s9, s10  }
0x9: {  	s4 =	sadd.s32 s29, s5;
	s30 =	sadd.s32 s28, s11;
	s10 =	simm.s32 $0x0  }
0xa: {  	s7 =	sadd.s32 s7, s3;
	s5 =	smax.u32 s9, $0x1;
	s6 =	sadd.s32 $0xC80E00, s30  }
0xb: {  	v1 =	vlaneseq.u32;
	v0 =	vmov s12;
	s9 =	simm.s32 $0x1;
	s3 =	sadd.s32 $0xE00, s7;
	s7 =	simm.s32 $0x2  }
.LBB2_1:
0xc: {  	[tilespmem:s2], [sflag:$0x2] =	stream.linear.gather [hbm4b:s3+s2], $0xD00, $0x38;
	v2 =	vor.u32 s2, v1;
	[tilespmem:$0xEF00] =	vst v63  }
0xd: {  	_ =	swait.ge [sflag:s7], $0xD00;
	v3 =	vmulhi.u32 $0x4EC4EC4F, v2  }
0xe: {  	[sflag:s7] =	ssyncset.done $0x0  }
0xf: {  	[sflag:s7] =	ssyncadd.s32 $0xFFFFF300;
	v3 =	vshrl.u32 v3, $0x3  }
0x10: {  	v4 =	vmul.u32 $0xFFFFFFE6, v3;
	v5 =	vld [tilespmem:s2+$0x0];
	_ =	sdelay $0x1  }
0x11: {  	v2 =	vadd.s32 v2, v4  }
0x12: {  	s11 =	simm.s32 $0x10;
	v3 =	vadd.s32 v0, v3;
	v4 =	vmul.u32 $0x186A0, v2  }
0x13: {  	v6 =	vor.u32 s11, v1;
	v3 =	vmul.u32 $0xE2, v3  }
0x14: {  	s13 =	simm.s32 $0xD00;
	v7 =	vmulhi.u32 $0x4EC4EC4F, v6;
	v4 =	vadd.s32 v4, v5  }
0x15: {  	s12 =	simm.s32 $0x1A00;
	v2 =	vadd.s32 v2, v3;
	[tilespmem:s13+$0x0] =	vst v4  }
0x16: {  	v4 =	vshrl.u32 v7, $0x3;
	[tilespmem:s12+$0x0] =	vst v2  }
0x17: {  	v2 =	vmul.u32 $0xFFFFFFE6, v4;
	v7 =	vld [tilespmem:s11+$0x0];
	_ =	sdelay $0x1  }
0x18: {  	v3 =	vadd.s32 v6, v2  }
0x19: {  	s31 =	simm.s32 $0x20;
	v4 =	vadd.s32 v0, v4;
	v6 =	vmul.u32 $0x186A0, v3  }
0x1a: {  	v5 =	vmul.u32 $0xE2, v4;
	v2 =	vor.u32 s31, v1  }
0x1b: {  	s14 =	simm.s32 $0x30;
	s13 =	simm.s32 $0xD10;
	v4 =	vmulhi.u32 $0x4EC4EC4F, v2;
	v6 =	vadd.s32 v6, v7  }
.LBB2_2:
0x1c: {  	p0 =	sne.s32 s14, $0xCF0;
	[tilespmem:s13+$0x0] =	vst v6;
	v3 =	vadd.s32 v3, v5;
	s12 =	sadd.s32 $0x10, s12  }
0x1d: {  	s11 =	sadd.s32 $0x10, s11;
	v4 =	vshrl.u32 v4, $0x3;
	[tilespmem:s12+$0x0] =	vst v3  }
0x1e: {  	v3 =	vmul.u32 $0xFFFFFFE6, v4;
	v6 =	vld [tilespmem:s11+$0x0]  }
.Ltmp0:
0x1f: {  	(pc) =	sbr.rel @p0 .LBB2_2-.Ltmp0, $4  }
0x20: {  	v3 =	vadd.s32 v2, v3  }
0x21: {  	v4 =	vadd.s32 v0, v4;
	v7 =	vmul.u32 $0x186A0, v3  }
0x22: {  	v5 =	vmul.u32 $0xE2, v4;
	v2 =	vor.u32 s14, v1  }
0x23: {  	s13 =	sadd.s32 $0x10, s13;
	s14 =	sadd.s32 $0x10, s14;
	v4 =	vmulhi.u32 $0x4EC4EC4F, v2;
	v6 =	vadd.s32 v7, v6  }
0x24: {  	[tilespmem:s13+$0x0] =	vst v6;
	v3 =	vadd.s32 v3, v5;
	s12 =	sadd.s32 $0x10, s12  }
0x25: {  	s11 =	sadd.s32 $0x10, s11;
	v4 =	vshrl.u32 v4, $0x3;
	[tilespmem:s12+$0x0] =	vst v3  }
0x26: {  	v3 =	vmul.u32 $0xFFFFFFE6, v4;
	v63 =	vld [tilespmem:s11+$0x0]  }
0x27: {  	s26 =	simm.s32 $0x0  }
0x28: {  	s11 =	sand.u32 $0x3, s26;
	v2 =	vadd.s32 v2, v3  }
0x29: {  	s14 =	simm.s32 $0x1;
	v4 =	vadd.s32 v0, v4;
	s11 =	smul.u32 $0xC800, s11;
	v3 =	vmul.u32 $0x186A0, v2  }
0x2a: {  	s29 =	sand.u32 $0x3, s14;
	v4 =	vmul.u32 $0xE2, v4  }
0x2b: {  	s28 =	sadd.s32 $0x10, s13;
	s30 =	smul.u32 $0xC800, s29;
	s11 =	sshrl.u32 s11, $0x2;
	v3 =	vadd.s32 v3, v63  }
0x2c: {  	s12 =	sadd.s32 $0x10, s12;
	v2 =	vadd.s32 v2, v4;
	s11 =	sadd.s32 s11, s4;
	[tilespmem:s28+$0x0] =	vst v3  }
0x2d: {  	s31 =	sshrl.u32 s30, $0x2;
	s11 =	sshrl.u32 s11, $0x3;
	[tilespmem:s12+$0x0] =	vst v2  }
0x2e: {  	[spmem:s11], [sflag:s8] =	dma.local [hbm:s6], $0x640  }
0x2f: {  	s13 =	sadd.s32 s31, s4;
	s12 =	simm.s32 $0x2;
	s11 =	smov.u32 s6  }
.LBB2_4:
0x30: {  	s14 =	sand.u32 $0x3, s12  }
0x31: {  	s13 =	sshrl.u32 s13, $0x3;
	s11 =	sadd.s32 $0x640, s11;
	p0 =	sne.s32 s12, $0x3F  }
0x32: {  	[spmem:s13], [sflag:s8] =	dma.local [hbm:s11], $0x640  }
.Ltmp1:
0x33: {  	_ = 	snop;
	(pc) =	sbr.rel @p0 .LBB2_4-.Ltmp1, $3  }
0x34: {  	s12 =	sadd.s32 $0x1, s12;
	s13 =	smul.u32 $0xC800, s14;
	_ =	sdelay $0x1  }
0x35: {  	s13 =	sshrl.u32 s13, $0x2  }
0x36: {  	s13 =	sadd.s32 s13, s4  }
0x37: {  	s12 =	sshrl.u32 s13, $0x3;
	s11 =	sadd.s32 $0x640, s11  }
0x38: {  	[spmem:s12], [sflag:s8] =	dma.local [hbm:s11], $0x640  }
0x39: {  	_ =	swait.ge [sflag:s9], $0x640  }
0x3a: {  	s11 =	simm.s32 $0x3F;
	[sflag:s9] =	ssyncset.done $0x0  }
.LBB2_6:
0x3b: {  	p0 =	sne.s32 s11, $0x1;
	s11 =	sadd.s32 $0xFFFFFFFF, s11;
	[sflag:s9] =	ssyncadd.s32 $0xFFFFF9C0  }
.Ltmp2:
0x3c: {  	(pc) =	sbr.rel @p0 .LBB2_6-.Ltmp2, $3  }
0x3d: {  	_ =	sdelay $0x1  }
0x3e: {  	_ =	swait.ge [sflag:s9], $0x640  }
0x3f: {  	[sflag:s9] =	ssyncset.done $0x0  }
0x40: {  	s10 =	sadd.s32 $0x1, s10  }
0x41: {  	p0 =	sne.s32 s10, s5  }
.Ltmp3:
0x42: {  	_ = 	snop;
	(pc) =	sbr.rel @p0 .LBB2_1-.Ltmp3, $2  }
0x43: {  	_ =	sdelay $0x2  }
0x44: {  	[sflag:s9] =	ssyncadd.s32 $0xFFFFF9C0  }
0x45: {  	_ =	sfence.sel $0x180000  }
0x46: {  	[bflag:$0x0] =	sbarrier.arrive $0xFFFF  }
0x47: {  	p0 =	sne.s32 s0, $0x0;
	_ =	strace $0x90000047  }
0x48: {  	s0 =	sadd.s32 @!p0 $0x100000, s1;
	[bflag:$0x2] =	sbarrier.arrive $0xFFFF  }
0x49: {  	[sflag:s0] =	ssyncadd.tile.s32 @!p0 $0x1;
	_ =	shalt  }
.Lfunc_end2:
_tile_overlayer_lowered:
.L_overlay_start_2:
0x4a: {  	(tag) =	ssettag $0x2  }
0x4b: {  	s0 =	rddreg [dreg:$0x0];
	s2 =	stileid.u32  }
0x4c: {  	s1 =	rddreg [dreg:$0x1];
	p0 =	sne.s32 s2, $0x0  }
0x4d: {  	s3 =	rddreg [dreg:$0x2];
	[bflag:$0x3] =	sbarrier.arrive $0xFFFF;
	s2 =	simm.s32 @!p0 $0x1C02  }
0x4e: {  	[timem:s3], [sflag:s2] =	dma.local @!p0 [hbm:s0], s1  }
0x4f: {  	s0 =	simm.s32 @!p0 $0x2  }
0x50: {  	_ =	swait.ge @!p0 [sflag:s0], s1  }
0x51: {  	s1 =	ssub.s32 @!p0 $0x0, s1;
	[sflag:s0] =	ssyncset.done @!p0 $0x0  }
0x52: {  	[sflag:s0] =	ssyncadd.s32 @!p0 s1  }
0x53: {  	[bflag:$0x3] =	sbarrier.arrive $0xFFFF  }
0x54: {  	_ =	shalt  }

// kernel: sparse-core-data-format-call.1.cloned.1.call-start
scs
called_computation.1_lowered:
.L_overlay_start_0:
0x0: {  	s2 =	sld [smem:$0x3FD9]  }
0x1: {  	s3 =	sld [smem:$0x3FFE];
	_ =	sdelay $0x1  }
0x2: {  	s1 =	srdreg.scid  }
0x3: {  	s0 =	sand.u32 $0x1, s1  }
0x4: {  	s18 =	sshll.u32 s0, $0xA;
	s2 =	sadd.s32 s3, s2  }
0x5: {  	s2 =	sadd.s32 s2, s18  }
0x6: {  	[smem:$0x3FC5] =	sst s2  }
0x7: {  	_ = 	snop  }
0x8: {  	s2 =	sld [smem:$0x3FD0];
	(tm) =	ssettm $0x1  }
0x9: {  	s19 =	sld [smem:$0x3FFB];
	_ =	sdelay $0x3  }
0xa: {  	_ =	strace s19  }
0xb: {  	s3 =	sld [smem:$0x3FFC];
	_ =	sdelay $0x3  }
0xc: {  	_ =	strace s3  }
0xd: {  	s3 =	sld [smem:$0x3FFD];
	_ =	sdelay $0x3  }
0xe: {  	_ =	strace s3  }
0xf: {  	_ =	strace $0x8FFFFFFF  }
0x10: {  	s20 =	sld [smem:$0x3FDB];
	_ =	sdelay $0x1  }
0x11: {  	s4 =	simm.s32 $_scs_section_size  }
0x12: {  	s5 =	simm.s32 $_size__tile_overlayer_lowered;
	s6 =	simm.s32 $_tile_overlayer_lowered  }
0x13: {  	s23 =	simm.s32 $0x1BFF;
	s22 =	sshll.u32 s6, $0x1;
	s3 =	sadd.s32 s4, s20  }
0x14: {  	s7 =	simm.s32 $0x0;
	s21 =	sshll.u32 s5, $0x1;
	s5 =	sadd.s32 s22, s3  }
0x15: {  	[timem:s7], [sflag:s23] =	dma.local [hbm:s5], s21  }
0x16: {  	_ =	swait.ge [sflag:s23], s21  }
0x17: {  	s4 =	ssub.s32 $0x0, s21;
	[sflag:s23] =	ssyncset.done $0x0  }
0x18: {  	[sflag:s23] =	ssyncadd.s32 s4;
	_ =	sdelay $0x1  }
0x19: {  	s24 =	simm.s32 $0x1B8B  }
0x1a: {  	_ =	swait.ge [sflag:s24], $0x1  }
0x1b: {  	[sflag:s24] =	ssyncset.done $0x0  }
0x1c: {  	s26 =	simm.s32 $0x1B8E;
	s25 =	sld [smem:$0x3FFE];
	[sflag:s24] =	ssyncadd.s32 $0xFFFFFFFF  }
0x1d: {  	s27 =	simm.s32 $execute0_lowered;
	[smem:$0x3FD2] =	sst s26  }
0x1e: {  	s5 =	sshll.u32 s27, $0x1;
	_ =	strace $0x80000049;
	[dreg:$0x1] =	wrdreg $0xFFFFFFFF  }
0x1f: {  	s28 =	simm.s32 $_size_execute0_lowered;
	s3 =	sadd.s32 s3, s5;
	[dreg:$0x0] =	wrdreg $0x0  }
0x20: {  	s5 =	sshll.u32 s28, $0x1;
	[dreg:$0x2] =	wrdreg s3  }
0x21: {  	[dreg:$0x3] =	wrdreg s5  }
0x22: {  	[dreg:$0x4] =	wrdreg $0xC0  }
0x23: {  	_ =	task [dreg:s7], $0x5FFFF  }
0x24: {  	[dreg:$0x1] =	wrdreg $0xFFFFFFFF  }
0x25: {  	[dreg:$0x0] =	wrdreg $0x60  }
0x26: {  	[dreg:$0x2] =	wrdreg s25  }
0x27: {  	[dreg:$0x3] =	wrdreg s2  }
0x28: {  	[dreg:$0x4] =	wrdreg $0x9  }
0x29: {  	_ =	task.clear_ibuf [dreg:s7], $0x5FFFF;
	_ =	strace $0x90000049  }
0x2a: {  	s29 =	simm.s32 $0x9;
	_ =	strace $0x8000004B  }
0x2b: {  	_ =	swait.ge [sflag:s29], $0x1  }
0x2c: {  	[sflag:s29] =	ssyncadd.s32 $0xFFFFFFFF  }
0x2d: {  	_ =	strace $0x9000004B  }
0x2e: {  	_ =	sfence  }
0x2f: {  	s30 =	sld [smem:$0x0];
	_ =	sdelay $0x2  }
0x30: {  	s31 =	sshll.u32 s1, $0xD;
	s1 =	sshrl.u32 s1, $0x2  }
0x31: {  	s3 =	sand.u32 $0x4000, s31;
	s1 =	sadd.s32 s1, s30  }
0x32: {  	s0 =	sor.u32 s3, s0;
	s1 =	sshll.u32 s1, $0x11  }
0x33: {  	s0 =	sor.u32 s1, s0  }
0x34: {  	s0 =	sadd.s32 $0x8F2B, s0  }
0x35: {  	[sflag:s0] =	ssyncadd.remote.s32 $0x1  }
0x36: {  	_ =	sfence.sel $0xFFFF  }
0x37: {  	[dreg:$0x0] =	wrdreg $0xFFFFFFFF;
	(pc) =	sbr.abs _section_cstart, $3  }
0x38: {  	[dreg:$0x1] =	wrdreg $0xFFFFFFFF  }
0x39: {  	_ =	task.clear_ibuf [dreg:s7], $0x2FFFF;
	_ =	strace $0x9FFFFFFF  }
0x3a: {  	(tm) =	ssettm $0x7FFFFFFF  }
0x3b: {  	_ =	shalt  }
tec
execute0_lowered:
.L_overlay_start_1:
0x0: {  	(tag) =	ssettag $0x1  }
0x1: {  	s0 =	srdreg.scid  }
0x2: {  	s1 =	sshll.u32 s0, $0x4  }
0x3: {  	s4 =	rddreg [dreg:$0x0];
	s0 =	stileid.u32;
	s1 =	sand.u32 $0x10, s1  }
0x4: {  	s2 =	rddreg [dreg:$0x1];
	s7 =	simm.s32 $0x1;
	s1 =	sor.u32 s0, s1  }
0x5: {  	s8 =	simm.s32 $0x2;
	s11 =	simm.s32 $0x0;
	s3 =	sshll.u32 s1, $0x7  }
0x6: {  	s10 =	simm.s32 $0x0;
	s4 =	sadd.s32 $0xE00, s4;
	s6 =	ssub.s32 $0xE2000, s3  }
.Ltmp0:
0x7: {  	s1 =	rddreg [dreg:$0x2];
	s5 =	sand.u32 $0xF80, s6;
	(pc) =	sbr.rel .LBB1_1-.Ltmp0, $4  }
0x8: {  	_ =	strace $0x8000004A;
	s9 =	smov.u32 s3;
	p0 =	sne.s32 s5, $0x0  }
0x9: {  	s6 =	sshrl.u32 s6, $0xC;
	s5 =	simm.s32 $0x1;
	s7 =	simm.s32 @!p0 $0x0  }
0xa: {  	[sflag:s5] =	ssyncpa.u1 $0x0;
	p0 =	por $0x0, $0x0;
	s6 =	sadd.s32 s7, s6  }
0xb: {  	[sflag:s8] =	ssyncpa.u1 $0x0;
	s8 =	simm.s32 $0x710000;
	s7 =	sadd.s32 $0x1, s6  }
.LBB1_4:
0xc: {  	s14 =	sshll.u32 s11, $0x3  }
0xd: {  	s15 =	sshrl.u32 s14, $0xD  }
0xe: {  	s15 =	smulhi.u32 $0x243F6F1, s15;
	_ =	sdelay $0x1  }
0xf: {  	s28 =	sand.u32 $0x7F, s11;
	s14 =	sand.u32 $0xFFFFFC00, s14;
	s16 =	smul.u32 $0xE2000, s15  }
0x10: {  	s11 =	sor.u32 s28, s14;
	s29 =	sand.u32 $0x1F, s15  }
0x11: {  	s14 =	smul.u32 $0x1C400, s29;
	s11 =	ssub.s32 s11, s16  }
0x12: {  	s30 =	sand.u32 $0x7, s11  }
0x13: {  	s11 =	sshrl.u32 s11, $0x3;
	s14 =	sadd.s32 s2, s14;
	s15 =	sshll.u32 s30, $0x12  }
0x14: {  	[tilespmem:s13+$0x0 ss:$0x81] =	vst.msk $0xffff, v0;
	s11 =	sadd.s32 s11, s14;
	s31 =	sor.u32 $0x400, s15  }
0x15: {  	[hbm4b:s11+s31] =	stream.strided.scatter [tilespmem:s12], [sflag:$0x2], $0x1000, s8, s31, $0x20;
	[tilespmem:$0x4040] =	vst v63  }
.LBB1_5:
0x16: {  	s13 =	sadd.s32 $0x1000, s9  }
0x17: {  	p2 =	sgt.s32 s13, $0xE1FFF  }
0x18: {  	s13 =	smov.u32 @p2 s3;
	p2 =	sne.s32 s10, s7  }
.Ltmp1:
0x19: {  	p1 =	slt.u32 s10, $0x2;
	(pc) =	sbr.rel @!p2 .LBB1_6-.Ltmp1, $4  }
0x1a: {  	s12 =	simm.s32 @!p1 $0x2  }
0x1b: {  	s14 =	sadd.s32 $0x1, s10;
	_ =	swait.ge @!p1 [sflag:s12], $0x1000  }
0x1c: {  	s11 =	smov.u32 s9;
	p0 =	por !p0, !p0;
	[sflag:s12] =	ssyncset.done @!p1 $0x0  }
0x1d: {  	s10 =	smov.u32 s14;
	s9 =	smov.u32 s13;
	[sflag:s12] =	ssyncadd.s32 @!p1 $0xFFFFF000  }
.LBB1_1:
0x1e: {  	p1 =	sge.u32 s10, s6  }
0x1f: {  	s12 =	sand.u32 @!p1 $0x1FFFFFF, s9  }
0x20: {  	s13 =	smulhi.u32 @!p1 $0x243F6F1, s12;
	_ =	sdelay $0x1  }
0x21: {  	s13 =	sshrl.u32 @!p1 s13, $0xD  }
0x22: {  	s13 =	smul.u32 @!p1 $0xE2000, s13;
	_ =	sdelay $0x1  }
0x23: {  	s31 =	sadd.s32 $0xFFFFFFFF, s10;
	s14 =	sxor.u32 @!p1 $0xFFFFFFFF, s10;
	s12 =	ssub.s32 @!p1 s12, s13  }
0x24: {  	s15 =	simm.s32 @!p1 $0x80;
	s14 =	sshll.u32 @!p1 s14, $0xC;
	s12 =	sshll.u32 @!p1 s12, $0x4  }
0x25: {  	s13 =	sand.u32 @!p1 $0x1000, s14;
	s14 =	simm.s32 @!p1 $0x20;
	s12 =	sadd.s32 @!p1 s4, s12  }
0x26: {  	[tilespmem:s13], [sflag:$0x1] =	stream.strided.gather @!p1 [hbm4b:s12+s14], $0x1000, s15, s14, $0x38;
	[tilespmem:$0x4040] =	vst v63  }
0x27: {  	p1 =	sge.u32 s31, s6  }
.Ltmp2:
0x28: {  	_ = 	snop;
	(pc) =	sbr.rel @p1 .LBB1_5-.Ltmp2, $1  }
0x29: {  	_ =	sdelay $0x3  }
0x2a: {  	s12 =	simm.s32 $0x1  }
0x2b: {  	_ =	swait.ge [sflag:s5], $0x1000;
	s12 =	simm.s32 @!p0 $0x0  }
0x2c: {  	[sflag:s5] =	ssyncset.done $0x0;
	s13 =	sshll.u32 s12, $0xC  }
0x2d: {  	[sflag:s5] =	ssyncadd.s32 $0xFFFFF000;
	s16 =	sor.u32 $0x10, s13  }
0x2e: {  	s12 =	smul.u32 $0x4080, s12;
	v1 =	vld [tilespmem:s16+$0x0]  }
0x2f: {  	s30 =	sand.u32 $0x1, s10;
	v0 =	vld [tilespmem:s16+$0xFFFFFFF0]  }
0x30: {  	s13 =	smul.u32 $0x4080, s30;
	s12 =	sshrl.u32 s12, $0x2  }
0x31: {  	s14 =	sor.u32 $0x2000, s12  }
0x32: {  	s31 =	sshrl.u32 s13, $0x2;
	s13 =	sadd.s32 $0x0, s14  }
0x33: {  	s15 =	simm.s32 $0x4;
	s16 =	sadd.s32 $0x20, s16;
	s12 =	sor.u32 $0x2000, s31;
	[tilespmem:s13+$0x810 ss:$0x81] =	vst.msk $0xffff, v1  }
.LBB1_3:
0x34: {  	v1 =	vld [tilespmem:s16+$0x0];
	p1 =	sne.s32 s15, $0x1FC;
	[tilespmem:s13+$0x0 ss:$0x81] =	vst.msk $0xffff, v0;
	s13 =	smov.u32 s15;
	s15 =	sadd.s32 $0x4, s15  }
.Ltmp3:
0x35: {  	v0 =	vld [tilespmem:s16+$0xFFFFFFF0];
	(pc) =	sbr.rel @p1 .LBB1_3-.Ltmp3, $4  }
0x36: {  	_ = 	snop  }
0x37: {  	s13 =	sshra.s32 s13, $0x2  }
0x38: {  	s13 =	sadd.s32 s13, s14  }
0x39: {  	s16 =	sadd.s32 $0x20, s16;
	[tilespmem:s13+$0x810 ss:$0x81] =	vst.msk $0xffff, v1  }
.Ltmp4:
0x3a: {  	_ = 	snop;
	(pc) =	sbr.rel .LBB1_4-.Ltmp4, $1  }
0x3b: {  	_ =	sdelay $0x3  }
.LBB1_6:
0x3c: {  	_ =	sfence.sel $0x180000  }
0x3d: {  	s2 =	simm.s32 $0x1;
	[bflag:$0x0] =	sbarrier.arrive $0xFFFF  }
0x3e: {  	s31 =	simm.s32 $0x2;
	[sflag:s2] =	ssyncpa.u1 $0x1  }
0x3f: {  	[sflag:s31] =	ssyncpa.u1 $0x1  }
0x40: {  	p0 =	sne.s32 s0, $0x0;
	_ =	strace $0x9000004A  }
0x41: {  	s0 =	sadd.s32 @!p0 $0x100000, s1;
	[bflag:$0x2] =	sbarrier.arrive $0xFFFF  }
0x42: {  	[sflag:s0] =	ssyncadd.tile.s32 @!p0 $0x1;
	_ =	shalt  }
.Lfunc_end1:
_tile_overlayer_lowered:
.L_overlay_start_2:
0x43: {  	(tag) =	ssettag $0x2  }
0x44: {  	s0 =	rddreg [dreg:$0x0];
	s2 =	stileid.u32  }
0x45: {  	s1 =	rddreg [dreg:$0x1];
	p0 =	sne.s32 s2, $0x0  }
0x46: {  	s3 =	rddreg [dreg:$0x2];
	[bflag:$0x3] =	sbarrier.arrive $0xFFFF;
	s2 =	simm.s32 @!p0 $0x1C01  }
0x47: {  	[timem:s3], [sflag:s2] =	dma.local @!p0 [hbm:s0], s1  }
0x48: {  	s0 =	simm.s32 @!p0 $0x1  }
0x49: {  	_ =	swait.ge @!p0 [sflag:s0], s1  }
0x4a: {  	s1 =	ssub.s32 @!p0 $0x0, s1;
	[sflag:s0] =	ssyncset.done @!p0 $0x0  }
0x4b: {  	[sflag:s0] =	ssyncadd.s32 @!p0 s1  }
0x4c: {  	[bflag:$0x3] =	sbarrier.arrive $0xFFFF  }
0x4d: {  	_ =	shalt  }

// kernel: sparse-core-data-format-call.cloned.1.call-start
scs
called_computation_lowered:
.L_overlay_start_0:
0x0: {  	s2 =	sld [smem:$0x3FD9]  }
0x1: {  	s3 =	sld [smem:$0x3FFE];
	_ =	sdelay $0x1  }
0x2: {  	s1 =	srdreg.scid  }
0x3: {  	s0 =	sand.u32 $0x1, s1  }
0x4: {  	s18 =	sshll.u32 s0, $0xA;
	s2 =	sadd.s32 s3, s2  }
0x5: {  	s2 =	sadd.s32 s2, s18  }
0x6: {  	[smem:$0x3FC5] =	sst s2  }
0x7: {  	_ = 	snop  }
0x8: {  	s2 =	sld [smem:$0x3FD0];
	(tm) =	ssettm $0x1  }
0x9: {  	s19 =	sld [smem:$0x3FFB];
	_ =	sdelay $0x3  }
0xa: {  	_ =	strace s19  }
0xb: {  	s3 =	sld [smem:$0x3FFC];
	_ =	sdelay $0x3  }
0xc: {  	_ =	strace s3  }
0xd: {  	s3 =	sld [smem:$0x3FFD];
	_ =	sdelay $0x3  }
0xe: {  	_ =	strace s3  }
0xf: {  	_ =	strace $0x8FFFFFFF  }
0x10: {  	s20 =	sld [smem:$0x3FDB];
	_ =	sdelay $0x1  }
0x11: {  	s4 =	simm.s32 $_scs_section_size  }
0x12: {  	s5 =	simm.s32 $_size__tile_overlayer_lowered;
	s6 =	simm.s32 $_tile_overlayer_lowered  }
0x13: {  	s23 =	simm.s32 $0x1BFF;
	s22 =	sshll.u32 s6, $0x1;
	s3 =	sadd.s32 s4, s20  }
0x14: {  	s7 =	simm.s32 $0x0;
	s21 =	sshll.u32 s5, $0x1;
	s5 =	sadd.s32 s22, s3  }
0x15: {  	[timem:s7], [sflag:s23] =	dma.local [hbm:s5], s21  }
0x16: {  	_ =	swait.ge [sflag:s23], s21  }
0x17: {  	s4 =	ssub.s32 $0x0, s21;
	[sflag:s23] =	ssyncset.done $0x0  }
0x18: {  	[sflag:s23] =	ssyncadd.s32 s4;
	_ =	sdelay $0x1  }
0x19: {  	s24 =	simm.s32 $0x1B8B  }
0x1a: {  	_ =	swait.ge [sflag:s24], $0x1  }
0x1b: {  	[sflag:s24] =	ssyncset.done $0x0  }
0x1c: {  	s26 =	simm.s32 $0x1B8E;
	s25 =	sld [smem:$0x3FFE];
	[sflag:s24] =	ssyncadd.s32 $0xFFFFFFFF  }
0x1d: {  	s27 =	simm.s32 $execute0_lowered;
	[smem:$0x3FD2] =	sst s26  }
0x1e: {  	s5 =	sshll.u32 s27, $0x1;
	_ =	strace $0x8000004C;
	[dreg:$0x1] =	wrdreg $0xFFFFFFFF  }
0x1f: {  	s28 =	simm.s32 $_size_execute0_lowered;
	s3 =	sadd.s32 s3, s5;
	[dreg:$0x0] =	wrdreg $0x0  }
0x20: {  	s5 =	sshll.u32 s28, $0x1;
	[dreg:$0x2] =	wrdreg s3  }
0x21: {  	[dreg:$0x3] =	wrdreg s5  }
0x22: {  	[dreg:$0x4] =	wrdreg $0xC0  }
0x23: {  	_ =	task [dreg:s7], $0x5FFFF  }
0x24: {  	[dreg:$0x1] =	wrdreg $0xFFFFFFFF  }
0x25: {  	[dreg:$0x0] =	wrdreg $0x60  }
0x26: {  	[dreg:$0x2] =	wrdreg s25  }
0x27: {  	[dreg:$0x3] =	wrdreg s2  }
0x28: {  	[dreg:$0x4] =	wrdreg $0x9  }
0x29: {  	_ =	task.clear_ibuf [dreg:s7], $0x5FFFF;
	_ =	strace $0x9000004C  }
0x2a: {  	s29 =	simm.s32 $0x9;
	_ =	strace $0x8000004E  }
0x2b: {  	_ =	swait.ge [sflag:s29], $0x1  }
0x2c: {  	[sflag:s29] =	ssyncadd.s32 $0xFFFFFFFF  }
0x2d: {  	_ =	strace $0x9000004E  }
0x2e: {  	_ =	sfence  }
0x2f: {  	s30 =	sld [smem:$0x0];
	_ =	sdelay $0x2  }
0x30: {  	s31 =	sshll.u32 s1, $0xD;
	s1 =	sshrl.u32 s1, $0x2  }
0x31: {  	s3 =	sand.u32 $0x4000, s31;
	s1 =	sadd.s32 s1, s30  }
0x32: {  	s0 =	sor.u32 s3, s0;
	s1 =	sshll.u32 s1, $0x11  }
0x33: {  	s0 =	sor.u32 s1, s0  }
0x34: {  	s0 =	sadd.s32 $0x8F2B, s0  }
0x35: {  	[sflag:s0] =	ssyncadd.remote.s32 $0x1  }
0x36: {  	_ =	sfence.sel $0xFFFF  }
0x37: {  	[dreg:$0x0] =	wrdreg $0xFFFFFFFF;
	(pc) =	sbr.abs _section_cstart, $3  }
0x38: {  	[dreg:$0x1] =	wrdreg $0xFFFFFFFF  }
0x39: {  	_ =	task.clear_ibuf [dreg:s7], $0x2FFFF;
	_ =	strace $0x9FFFFFFF  }
0x3a: {  	(tm) =	ssettm $0x7FFFFFFF  }
0x3b: {  	_ =	shalt  }
tec
execute0_lowered:
.L_overlay_start_1:
0x0: {  	(tag) =	ssettag $0x1  }
0x1: {  	s1 =	rddreg [dreg:$0x0]  }
0x2: {  	s2 =	rddreg [dreg:$0x1]  }
0x3: {  	s0 =	rddreg [dreg:$0x2]  }
0x4: {  	s4 =	srdreg.scid;
	_ =	strace $0x8000004D;
	s6 =	simm.s32 $0x2  }
0x5: {  	s15 =	simm.s32 $0x0;
	p0 =	por $0x0, $0x0;
	s14 =	simm.s32 $0x0  }
0x6: {  	s16 =	simm.s32 $0x0;
	s7 =	simm.s32 $0x0;
	s9 =	simm.s32 $0x0  }
.Ltmp0:
0x7: {  	s10 =	simm.s32 $0x0;
	s11 =	simm.s32 $0x0;
	(pc) =	sbr.rel .LBB1_1-.Ltmp0, $4  }
0x8: {  	s12 =	simm.s32 $0x0;
	s3 =	sadd.s32 $0xE00, s1;
	s4 =	sshll.u32 s4, $0x4  }
0x9: {  	s1 =	stileid.u32;
	s5 =	sand.u32 $0x10, s4;
	s4 =	simm.s32 $0x1  }
0xa: {  	s8 =	simm.s32 $0x0;
	s5 =	sor.u32 s1, s5;
	[sflag:s4] =	ssyncpa.u1 $0x0  }
0xb: {  	[sflag:s6] =	ssyncpa.u1 $0x0;
	s6 =	simm.s32 $0x20000;
	s13 =	smov.u32 s5  }
.LBB1_5:
0xc: {  	p1 =	slt.u32 s8, $0x2;
	s18 =	smov.u32 s16  }
0xd: {  	p2 =	sgt.s32 @!p1 s15, $0x62;
	s17 =	sshra.s32 @!p1 s15, $0x1F;
	p3 =	sgt.s32 @!p1 s16, $0x1F  }
0xe: {  	s19 =	sshra.s32 @!p1 s16, $0x1F;
	p2 =	por !p2, p1;
	s17 =	sand.u32 @!p1 s17, s15  }
0xf: {  	p3 =	por !p3, p1;
	s16 =	sand.u32 @!p1 s19, s16;
	s19 =	sshra.s32 @!p1 s14, $0x1F  }
0x10: {  	s18 =	simm.s32 @p3 $0x1F;
	p3 =	sgt.s32 @!p1 s14, $0xF80;
	s15 =	simm.s32 @p2 $0x62  }
0x11: {  	s16 =	ssub.s32 @!p1 s18, s16;
	p3 =	por !p3, p1;
	s18 =	smov.u32 s14  }
0x12: {  	s14 =	sand.u32 @!p1 s19, s14;
	s15 =	ssub.s32 @!p1 s15, s17;
	s18 =	simm.s32 @p3 $0xF80  }
0x13: {  	s17 =	sadd.s32 @!p1 $0xFFFFFFE1, s16;
	s16 =	ssub.s32 @!p1 $0x20, s16;
	s14 =	ssub.s32 @!p1 s18, s14  }
0x14: {  	s18 =	sadd.s32 @!p1 $0xFFFFFF9E, s15;
	p2 =	sgt.s32 @!p1 s17, $0x0;
	s17 =	sadd.s32 @!p1 $0xFFFFF080, s14  }
0x15: {  	s15 =	ssub.s32 @!p1 $0xE2, s15;
	p2 =	por !p2, p1;
	p3 =	sgt.s32 @!p1 s17, $0x7F  }
0x16: {  	s14 =	ssub.s32 @!p1 $0x1000, s14;
	s16 =	simm.s32 @!p2 $0x0;
	p2 =	por !p3, p1  }
0x17: {  	s17 =	sadd.s32 $0x80, s11;
	p3 =	sgt.s32 @!p1 s18, $0x7F;
	s14 =	simm.s32 @!p2 $0x0  }
0x18: {  	s18 =	smov.u32 s12;
	p2 =	por !p3, p1;
	s14 =	smul.u32 @!p1 s16, s14  }
0x19: {  	s15 =	simm.s32 @!p2 $0x0;
	p2 =	sgt.s32 s17, $0xE1;
	s16 =	sadd.s32 $0x80, s12  }
0x1a: {  	s19 =	smov.u32 s13;
	s18 =	smov.u32 @p2 s16  }
0x1b: {  	s14 =	smul.u32 @!p1 s15, s14;
	p3 =	sgt.s32 s18, $0xFFF;
	s15 =	sadd.s32 $0x20, s13  }
0x1c: {  	s8 =	sadd.s32 $0x1, s8;
	p0 =	por !p0, !p0;
	s19 =	smov.u32 @p3 s15  }
0x1d: {  	s20 =	simm.s32 @!p1 $0x2;
	s17 =	simm.s32 @p2 $0x0;
	p2 =	sgt.s32 s19, $0x1F  }
0x1e: {  	s16 =	smov.u32 s10;
	s19 =	smov.u32 @p2 s5;
	p2 =	sne.s32 s8, $0x42  }
.Ltmp1:
0x1f: {  	s10 =	smov.u32 s13;
	s18 =	simm.s32 @p3 $0x0;
	(pc) =	sbr.rel @!p2 .LBB1_6-.Ltmp1, $4  }
0x20: {  	s15 =	smov.u32 s7;
	s7 =	smov.u32 s11;
	s14 =	sand.u32 @!p1 $0x3FFFFFFF, s14  }
0x21: {  	s11 =	smov.u32 s17;
	_ =	swait.ge @!p1 [sflag:s20], s14;
	s21 =	ssub.s32 @!p1 $0x0, s14  }
0x22: {  	s14 =	smov.u32 s9;
	s9 =	smov.u32 s12;
	[sflag:s20] =	ssyncset.done @!p1 $0x0  }
0x23: {  	s12 =	smov.u32 s18;
	s13 =	smov.u32 s19;
	[sflag:s20] =	ssyncadd.s32 @!p1 s21  }
.LBB1_1:
0x24: {  	p1 =	sgt.u32 s8, $0x3F  }
0x25: {  	s17 =	sxor.u32 @!p1 $0xFFFFFFFF, s8  }
0x26: {  	s18 =	sshll.u32 @!p1 s12, $0x8;
	s19 =	sshll.u32 @!p1 s11, $0x3;
	s20 =	sshll.u32 @!p1 s12, $0x7  }
0x27: {  	s21 =	sand.u32 @!p1 $0x78, s11;
	s18 =	sand.u32 @!p1 $0xFF800, s18;
	s19 =	sand.u32 @!p1 $0xFFC00, s19  }
0x28: {  	s17 =	sshll.u32 @!p1 s17, $0xE;
	s18 =	sadd.s32 @!p1 s18, s19;
	s19 =	sand.u32 @!p1 $0x300, s20  }
0x29: {  	s17 =	sand.u32 @!p1 $0x4000, s17;
	s18 =	sor.u32 @!p1 s19, s18;
	s19 =	sand.u32 @!p1 $0x80, s20  }
0x2a: {  	s20 =	sshll.u32 @!p1 s13, $0x11;
	s19 =	sor.u32 @!p1 s21, s19;
	s18 =	sshrl.u32 @!p1 s18, $0x3  }
0x2b: {  	s20 =	sadd.s32 @!p1 s3, s20;
	s21 =	sand.u32 @!p1 $0x7, s11;
	s19 =	sshrl.u32 @!p1 s19, $0x3  }
0x2c: {  	s18 =	sand.u32 @!p1 $0x1FFE0, s18;
	s19 =	sadd.s32 @!p1 s19, s20;
	s20 =	sshll.u32 @!p1 s21, $0x12  }
0x2d: {  	s18 =	sadd.s32 @!p1 s18, s19;
	s19 =	sor.u32 @!p1 $0x400, s20;
	s20 =	simm.s32 @!p1 $0x800  }
0x2e: {  	[tilespmem:s17], [sflag:$0x1] =	stream.strided.gather @!p1 [hbm4b:s18+s19], $0x4000, s20, s19, $0x38;
	[tilespmem:$0x10100] =	vst v63  }
0x2f: {  	p1 =	seq.s32 s8, $0x0  }
0x30: {  	p2 =	seq.s32 @!p1 s8, $0x41  }
0x31: {  	p1 =	por p1, p2  }
.Ltmp2:
0x32: {  	_ = 	snop;
	(pc) =	sbr.rel @p1 .LBB1_5-.Ltmp2, $1  }
0x33: {  	_ =	sdelay $0x3  }
0x34: {  	s17 =	simm.s32 $0x1  }
0x35: {  	_ =	swait.ge [sflag:s4], $0x4000;
	s17 =	simm.s32 @!p0 $0x0  }
0x36: {  	[sflag:s4] =	ssyncset.done $0x0;
	s18 =	sshll.u32 s17, $0xE  }
0x37: {  	[sflag:s4] =	ssyncadd.s32 $0xFFFFC000;
	s18 =	sor.u32 $0x40, s18  }
0x38: {  	s17 =	smul.u32 $0x10200, s17;
	v0 =	vld [tilespmem:s18+$0x30]  }
0x39: {  	v1 =	vld [tilespmem:s18+$0xFFFFFFD0]  }
0x3a: {  	s17 =	sshrl.u32 s17, $0x2;
	v5 =	vld [tilespmem:s18+$0xFFFFFFE0]  }
0x3b: {  	v6 =	vld [tilespmem:s18+$0xFFFFFFF0];
	s20 =	sor.u32 $0x8000, s17  }
0x3c: {  	s31 =	sand.u32 $0x1, s8;
	v4 =	vld [tilespmem:s18+$0x0];
	s19 =	sadd.s32 $0x0, s20  }
0x3d: {  	v3 =	vld [tilespmem:s18+$0x10];
	s17 =	smul.u32 $0x10200, s31;
	[tilespmem:s19+$0x3870 ss:$0x81] =	vst.msk $0xffff, v0  }
0x3e: {  	v2 =	vld [tilespmem:s18+$0x20];
	[tilespmem:s19+$0x810 ss:$0x81] =	vst.msk $0xffff, v1  }
0x3f: {  	s17 =	sshrl.u32 s17, $0x2;
	v1 =	vld [tilespmem:s18+$0xFFFFFFC0];
	[tilespmem:s19+$0x1020 ss:$0x81] =	vst.msk $0xffff, v5;
	s18 =	sadd.s32 $0x80, s18  }
0x40: {  	s21 =	simm.s32 $0x4;
	s22 =	simm.s32 $0x8;
	s17 =	sor.u32 $0x8000, s17;
	[tilespmem:s19+$0x1830 ss:$0x81] =	vst.msk $0xffff, v6;
	v0 =	vld [tilespmem:s18+$0x30]  }
.LBB1_3:
0x41: {  	p1 =	sne.s32 s22, $0x1FC;
	v5 =	vld [tilespmem:s18+$0xFFFFFFD0];
	[tilespmem:s19+$0x2040 ss:$0x81] =	vst.msk $0xffff, v4  }
0x42: {  	v6 =	vld [tilespmem:s18+$0xFFFFFFE0];
	[tilespmem:s19+$0x2850 ss:$0x81] =	vst.msk $0xffff, v3  }
0x43: {  	s23 =	sshra.s32 s21, $0x2;
	s21 =	smov.u32 s22;
	v7 =	vld [tilespmem:s18+$0xFFFFFFF0];
	[tilespmem:s19+$0x3060 ss:$0x81] =	vst.msk $0xffff, v2  }
.Ltmp3:
0x44: {  	v4 =	vld [tilespmem:s18+$0x0];
	[tilespmem:s19+$0x0 ss:$0x81] =	vst.msk $0xffff, v1;
	s19 =	sadd.s32 s23, s20;
	(pc) =	sbr.rel @p1 .LBB1_3-.Ltmp3, $4  }
0x45: {  	v3 =	vld [tilespmem:s18+$0x10];
	[tilespmem:s19+$0x3870 ss:$0x81] =	vst.msk $0xffff, v0  }
0x46: {  	[tilespmem:s19+$0x810 ss:$0x81] =	vst.msk $0xffff, v5;
	v2 =	vld [tilespmem:s18+$0x20]  }
0x47: {  	v1 =	vld [tilespmem:s18+$0xFFFFFFC0];
	[tilespmem:s19+$0x1020 ss:$0x81] =	vst.msk $0xffff, v6;
	s18 =	sadd.s32 $0x80, s18  }
0x48: {  	s22 =	sadd.s32 $0x4, s22;
	v0 =	vld [tilespmem:s18+$0x30];
	[tilespmem:s19+$0x1830 ss:$0x81] =	vst.msk $0xffff, v7  }
0x49: {  	s21 =	sshra.s32 s21, $0x2;
	s28 =	sand.u32 $0x78, s9  }
0x4a: {  	s22 =	sshll.u32 s10, $0x7;
	p1 =	sgt.s32 s10, $0x1F;
	s23 =	smov.u32 s10  }
0x4b: {  	s24 =	sshra.s32 s10, $0x1F;
	s25 =	smov.u32 s7;
	s26 =	sshra.s32 s9, $0x1F  }
0x4c: {  	s31 =	sshll.u32 s10, $0xC;
	s27 =	sshra.s32 s7, $0x1F;
	s20 =	sadd.s32 s21, s20  }
0x4d: {  	s22 =	sand.u32 $0x380, s22;
	s23 =	simm.s32 @!p1 $0x1F;
	p1 =	sgt.s32 s7, $0x62  }
0x4e: {  	s24 =	sand.u32 s24, s10;
	s30 =	sand.u32 s26, s9;
	s26 =	sand.u32 $0x18000, s31  }
0x4f: {  	s31 =	sshll.u32 s9, $0x3;
	s21 =	sor.u32 s22, s28;
	s25 =	simm.s32 @!p1 $0x62  }
0x50: {  	v5 =	vld [tilespmem:s18+$0xFFFFFFD0];
	[tilespmem:s19+$0x2040 ss:$0x81] =	vst.msk $0xffff, v4;
	s29 =	ssub.s32 s23, s24;
	p1 =	sgt.s32 s9, $0xF80;
	s24 =	smov.u32 s9  }
0x51: {  	v58 =	vld [tilespmem:s18+$0xFFFFFFE0];
	[tilespmem:s19+$0x2850 ss:$0x81] =	vst.msk $0xffff, v3;
	s26 =	sadd.s32 s26, s31;
	s23 =	sadd.s32 $0xFFFFFFE1, s29;
	s24 =	simm.s32 @!p1 $0xF80  }
0x52: {  	v59 =	vld [tilespmem:s18+$0xFFFFFFF0];
	[tilespmem:s19+$0x3060 ss:$0x81] =	vst.msk $0xffff, v2;
	p1 =	sgt.s32 s23, $0x0;
	s23 =	ssub.s32 s24, s30;
	s24 =	sand.u32 s27, s7  }
0x53: {  	v60 =	vld [tilespmem:s18+$0x0];
	s22 =	ssub.s32 $0x20, s29;
	[tilespmem:s19+$0x0 ss:$0x81] =	vst.msk $0xffff, v1;
	s27 =	sshll.u32 s7, $0xE;
	s28 =	ssub.s32 s25, s24  }
0x54: {  	v61 =	vld [tilespmem:s18+$0x10];
	[tilespmem:s20+$0x3870 ss:$0x81] =	vst.msk $0xffff, v0;
	s22 =	simm.s32 @p1 $0x0;
	s29 =	sadd.s32 $0xFFFFF080, s23;
	s23 =	ssub.s32 $0x1000, s23  }
0x55: {  	v62 =	vld [tilespmem:s18+$0x20];
	[tilespmem:s20+$0x810 ss:$0x81] =	vst.msk $0xffff, v5;
	s25 =	sand.u32 $0xC00, s31;
	p1 =	sgt.s32 s29, $0x7F;
	s30 =	sadd.s32 $0xFFFFFF9E, s28  }
0x56: {  	v63 =	vld [tilespmem:s18+$0xFFFFFFC0];
	[tilespmem:s20+$0x1020 ss:$0x81] =	vst.msk $0xffff, v58;
	s19 =	ssub.s32 $0xE2, s28;
	s21 =	sor.u32 s25, s21;
	s23 =	simm.s32 @p1 $0x0  }
0x57: {  	[tilespmem:s20+$0x1830 ss:$0x81] =	vst.msk $0xffff, v59;
	s28 =	sshrl.u32 s26, $0x3;
	p1 =	sgt.s32 s30, $0x7F;
	s23 =	smul.u32 s22, s23  }
.Ltmp4:
0x58: {  	[tilespmem:s20+$0x2040 ss:$0x81] =	vst.msk $0xffff, v60;
	s29 =	sand.u32 $0x7, s9;
	s19 =	simm.s32 @p1 $0x0;
	(pc) =	sbr.rel .LBB1_5-.Ltmp4, $4  }
0x59: {  	[tilespmem:s20+$0x2850 ss:$0x81] =	vst.msk $0xffff, v61;
	s22 =	sand.u32 $0x3E00, s28;
	s18 =	smul.u32 s19, s23;
	s19 =	sadd.s32 s2, s27  }
0x5a: {  	[tilespmem:s20+$0x3060 ss:$0x81] =	vst.msk $0xffff, v62;
	s21 =	sshrl.u32 s21, $0x3;
	s30 =	sshll.u32 s29, $0x12;
	s19 =	sadd.s32 s22, s19  }
0x5b: {  	[tilespmem:s20+$0x0 ss:$0x81] =	vst.msk $0xffff, v63;
	s31 =	sor.u32 $0x80, s30;
	s18 =	sand.u32 $0x3FFFFFFF, s18;
	s19 =	sadd.s32 s21, s19  }
0x5c: {  	[hbm4b:s19+s31] =	stream.strided.scatter [tilespmem:s17], [sflag:$0x2], s18, s6, s31, $0x20;
	[tilespmem:$0x10100] =	vst v63  }
.LBB1_6:
0x5d: {  	_ =	sfence.sel $0x180000  }
0x5e: {  	s2 =	simm.s32 $0x1;
	[bflag:$0x0] =	sbarrier.arrive $0xFFFF  }
0x5f: {  	s31 =	simm.s32 $0x2;
	[sflag:s2] =	ssyncpa.u1 $0x1  }
0x60: {  	[sflag:s31] =	ssyncpa.u1 $0x1  }
0x61: {  	p0 =	sne.s32 s1, $0x0;
	_ =	strace $0x9000004D  }
0x62: {  	s0 =	sadd.s32 @!p0 $0x100000, s0;
	[bflag:$0x2] =	sbarrier.arrive $0xFFFF  }
0x63: {  	[sflag:s0] =	ssyncadd.tile.s32 @!p0 $0x1;
	_ =	shalt  }
.Lfunc_end1:
_tile_overlayer_lowered:
.L_overlay_start_2:
0x64: {  	(tag) =	ssettag $0x2  }
0x65: {  	s0 =	rddreg [dreg:$0x0];
	s2 =	stileid.u32  }
0x66: {  	s1 =	rddreg [dreg:$0x1];
	p0 =	sne.s32 s2, $0x0  }
0x67: {  	s3 =	rddreg [dreg:$0x2];
	[bflag:$0x3] =	sbarrier.arrive $0xFFFF;
	s2 =	simm.s32 @!p0 $0x1C01  }
0x68: {  	[timem:s3], [sflag:s2] =	dma.local @!p0 [hbm:s0], s1  }
0x69: {  	s0 =	simm.s32 @!p0 $0x1  }
0x6a: {  	_ =	swait.ge @!p0 [sflag:s0], s1  }
0x6b: {  	s1 =	ssub.s32 @!p0 $0x0, s1;
	[sflag:s0] =	ssyncset.done @!p0 $0x0  }
0x6c: {  	[sflag:s0] =	ssyncadd.s32 @!p0 s1  }
0x6d: {  	[bflag:$0x3] =	sbarrier.arrive $0xFFFF  }
0x6e: {  	_ =	shalt  }

</sc_bundles>
